<compile_context>
chip_gen: v7x
topology: tpu7x:2x2x1
jax: 0.10.2.dev20260603
libtpu: 0.0.44.dev20260713+nightly
codegen_flags: <defaults>
</compile_context>

<pallas_src>
import jax
import jax.numpy as jnp
from jax import lax
from jax.experimental import pallas as pl
from jax.experimental.pallas import tpu as pltpu
from jax.experimental.pallas import tpu_sc as plsc

H = 32
W = 32
C = 256
B = 16
P = H * W
GRID = 50
NC = 2
NS = 16
NW = NC * NS
CPT = C // NW
BB = 4


def _sc_body(w3_hbm, t_hbm, col_v, row_v, sem):
    wid = lax.axis_index("s") * NC + lax.axis_index("c")
    c0 = wid * CPT

    pltpu.sync_copy(w3_hbm.at[pl.ds(0, H), pl.ds(0, W), pl.ds(c0, CPT)], col_v)

    lane = lax.iota(jnp.int32, 16)

    def step(pb, carry):
        p = pb * 16 + lane
        pi = lax.shift_right_logical(p, 5)
        pj = lax.bitwise_and(p, W - 1)
        for cc in range(CPT):
            pc = jnp.full((16,), cc, jnp.int32)
            v = plsc.load_gather(col_v, [pi, pj, pc])
            row_v[cc, pl.ds(pb * 16, 16)] = v
        return carry

    lax.fori_loop(0, P // 16, step, None)

    pltpu.async_copy(row_v, t_hbm.at[pl.ds(c0, CPT)], sem).wait()


def _sc_gather_transpose(w3):
    f = pl.kernel(
        _sc_body,
        out_type=jax.ShapeDtypeStruct((C, P), jnp.float32),
        mesh=plsc.VectorSubcoreMesh(core_axis_name="c", subcore_axis_name="s"),
        scratch_types=[
            pltpu.VMEM((H, W, CPT), jnp.float32),
            pltpu.VMEM((CPT, P), jnp.float32),
            pltpu.SemaphoreType.DMA,
        ],
        compiler_params=pltpu.CompilerParams(
            use_tc_tiling_on_sc=False, needs_layout_passes=False
        ),
    )
    return f(w3)


def _tc_body(t_ref, o_ref):
    o_ref[...] = jnp.broadcast_to(t_ref[...][None], (BB, C, P))


def _tc_broadcast(t):
    return pl.pallas_call(
        _tc_body,
        grid=(B // BB,),
        in_specs=[pl.BlockSpec((C, P), lambda b: (0, 0))],
        out_specs=pl.BlockSpec((BB, C, P), lambda b: (b, 0, 0)),
        out_shape=jax.ShapeDtypeStruct((B, C, P), jnp.float32),
    )(t)


def kernel(mask, pos_embed_weight):
    bsz, h, w = mask.shape
    w3 = pos_embed_weight.reshape(GRID, GRID, C)
    t = _sc_gather_transpose(w3)
    out = _tc_broadcast(t)
    return out.reshape(bsz, C, h, w)

# --- scband reference (transcript-rebuilt; emitter-appended) ---
"""Pipeline reference for scband-position-embedding-learned-6923487281677 (READ-ONLY COPY).

The authoritative reference and input builder live on the scoring server;
editing this copy changes nothing except your own understanding.
"""

import jax, jax.numpy as jnp
import numpy as np

NUM_POS = (50, 50)
NUM_POS_FEATS = 256


def setup_inputs(seed: int = 0) -> dict:
    key = jax.random.key(seed)
    k1, k2 = jax.random.split(key)
    mask = jnp.zeros((16, 32, 32), dtype=jnp.bool_)
    pos_embed_weight = jax.random.normal(
        k1, (NUM_POS[0] * NUM_POS[1], NUM_POS_FEATS), dtype=jnp.float32
    )
    return {"mask": mask, "pos_embed_weight": pos_embed_weight}


def reference(mask, pos_embed_weight):
    h, w = mask.shape[-2], mask.shape[-1]
    pos = pos_embed_weight.reshape(NUM_POS[0], NUM_POS[1], -1)[:h, :w]
    pos = jnp.transpose(pos, (2, 0, 1))
    pos = jnp.tile(pos[None, :, :, :], (mask.shape[0], 1, 1, 1))
    return pos

if __name__ == "__main__":
    import jax
    _d = setup_inputs()
    print(jax.jit(kernel)(*tuple(_d.values())))

</pallas_src>

<mosaic_0001>
#map = affine_map<(d0, d1) -> (0, 0, 0)>
#map1 = affine_map<(d0, d1) -> (0, 0)>
module attributes {stable_mosaic.version = 14 : i64} {
  func.func @_sc_body(%arg0: i32, %arg1: i32, %arg2: memref<50x50x256xf32, #tpu.memory_space<hbm>>, %arg3: memref<256x1024xf32, #tpu.memory_space<hbm>>, %arg4: memref<32x32x8xf32, #tpu.memory_space<vmem>>, %arg5: memref<8x1024xf32, #tpu.memory_space<vmem>>, %arg6: memref<!tpu.dma_semaphore, #tpu.memory_space<semaphore_mem>>) attributes {dimension_semantics = [#tpu.dimension_semantics<core_parallel>, #tpu.dimension_semantics<subcore_parallel>], iteration_bounds = array<i64: 2, 16>, scalar_prefetch = 0 : i64, scratch_operands = 3 : i64, tpu.core_type = #tpu.core_type<sc_vector_subcore>, window_params = [{transform_indices = #map}, {transform_indices = #map1}]} {
    %mul3A = arith.constant 2 : i32
    %mul3A_0 = arith.muli %arg1, %mul3A : i32
    %add3A = arith.addi %mul3A_0, %arg0 : i32
    %mul3A_1 = arith.constant 8 : i32
    %mul3A_2 = arith.muli %add3A, %mul3A_1 : i32
    "tpu.region"() ({
      %run_scoped3A = tpu.sem_alloc : memref<!tpu.dma_semaphore, #tpu.memory_space<semaphore_mem>>
      %dma_start3A_13 = arith.constant 0 : i32
      %dma_start3A_14 = arith.constant 0 : i32
      %dma_start3A_15 = tpu.memref_slice %arg2[%dma_start3A_13, %dma_start3A_14, %mul3A_2] : memref<50x50x256xf32, #tpu.memory_space<hbm>> -> memref<32x32x8xf32, #tpu.memory_space<hbm>>
      %dma_start3A_16 = arith.constant 0 : i32
      %dma_start3A_17 = arith.constant 0 : i32
      %dma_start3A_18 = tpu.memref_slice %arg2[%dma_start3A_16, %dma_start3A_17, %mul3A_2] : memref<50x50x256xf32, #tpu.memory_space<hbm>> -> memref<32x32x8xf32, #tpu.memory_space<hbm>>
      tpu.enqueue_dma source(%dma_start3A_18 : memref<32x32x8xf32, #tpu.memory_space<hbm>>) target(%arg4 : memref<32x32x8xf32, #tpu.memory_space<vmem>>) target_semaphore(%run_scoped3A : memref<!tpu.dma_semaphore, #tpu.memory_space<semaphore_mem>>)
      %dma_wait3A_19 = arith.constant 0 : i32
      %dma_wait3A_20 = arith.constant 0 : i32
      %dma_wait3A_21 = tpu.memref_slice %arg2[%dma_wait3A_19, %dma_wait3A_20, %mul3A_2] : memref<50x50x256xf32, #tpu.memory_space<hbm>> -> memref<32x32x8xf32, #tpu.memory_space<hbm>>
      %dma_wait3A_22 = arith.constant 0 : i32
      %dma_wait3A_23 = arith.constant 0 : i32
      %dma_wait3A_24 = tpu.memref_slice %arg2[%dma_wait3A_22, %dma_wait3A_23, %mul3A_2] : memref<50x50x256xf32, #tpu.memory_space<hbm>> -> memref<32x32x8xf32, #tpu.memory_space<hbm>>
      tpu.wait_dma2 semaphore(%run_scoped3A : memref<!tpu.dma_semaphore, #tpu.memory_space<semaphore_mem>>) src(%dma_wait3A_24 : memref<32x32x8xf32, #tpu.memory_space<hbm>>) dst(%arg4 : memref<32x32x8xf32, #tpu.memory_space<vmem>>)
      tpu.yield
    }) : () -> ()
    %iota3A = tpu.iota {dimensions = array<i32: 0>} : vector<16xi32>
    %scan3A = arith.constant 0 : i32
    %scan3A_3 = arith.constant 64 : i32
    %scan3A_4 = arith.addi %scan3A, %scan3A_3 : i32
    %scan3A_5 = arith.constant 1 : i32
    scf.for %scan3A_13 = %scan3A to %scan3A_4 step %scan3A_5  : i32 {
      %mul3A_14 = arith.constant 16 : i32
      %mul3A_15 = arith.muli %scan3A_13, %mul3A_14 : i32
      %add3A_16 = vector.broadcast %mul3A_15 : i32 to vector<16xi32>
      %add3A_17 = arith.addi %add3A_16, %iota3A : vector<16xi32>
      %shift_right_logical3A = arith.constant 5 : i32
      %shift_right_logical3A_18 = vector.broadcast %shift_right_logical3A : i32 to vector<16xi32>
      %shift_right_logical3A_19 = arith.shrui %add3A_17, %shift_right_logical3A_18 : vector<16xi32>
      %and3A = arith.constant 31 : i32
      %and3A_20 = vector.broadcast %and3A : i32 to vector<16xi32>
      %and3A_21 = arith.andi %add3A_17, %and3A_20 : vector<16xi32>
      %broadcast_in_dim3A = arith.constant 0 : i32
      %broadcast_in_dim3A_22 = vector.broadcast %broadcast_in_dim3A : i32 to vector<16xi32>
      %gather3A = tpu.vector_load_idx %arg4[%shift_right_logical3A_19, %and3A_21, %broadcast_in_dim3A_22] : memref<32x32x8xf32, #tpu.memory_space<vmem>>[vector<16xi32>, vector<16xi32>, vector<16xi32>], vector<16xf32>,
      %mul3A_23 = arith.constant 16 : i32
      %mul3A_24 = arith.muli %scan3A_13, %mul3A_23 : i32
      %swap3A = arith.constant 0 : i32
      %swap3A_25 = arith.index_cast %swap3A : i32 to index
      %swap3A_26 = arith.index_cast %mul3A_24 : i32 to index
      %swap3A_27 = tpu.vector_load %arg5[%swap3A_25, %swap3A_26] {strides = array<i32>} : memref<8x1024xf32, #tpu.memory_space<vmem>>, vector<16xf32>,
      tpu.vector_store %arg5[%swap3A_25, %swap3A_26], %gather3A {strides = array<i32>} : memref<8x1024xf32, #tpu.memory_space<vmem>>, vector<16xf32>,
      %broadcast_in_dim3A_28 = arith.constant 1 : i32
      %broadcast_in_dim3A_29 = vector.broadcast %broadcast_in_dim3A_28 : i32 to vector<16xi32>
      %gather3A_30 = tpu.vector_load_idx %arg4[%shift_right_logical3A_19, %and3A_21, %broadcast_in_dim3A_29] : memref<32x32x8xf32, #tpu.memory_space<vmem>>[vector<16xi32>, vector<16xi32>, vector<16xi32>], vector<16xf32>,
      %mul3A_31 = arith.constant 16 : i32
      %mul3A_32 = arith.muli %scan3A_13, %mul3A_31 : i32
      %swap3A_33 = arith.constant 1 : i32
      %swap3A_34 = arith.index_cast %swap3A_33 : i32 to index
      %swap3A_35 = arith.index_cast %mul3A_32 : i32 to index
      %swap3A_36 = tpu.vector_load %arg5[%swap3A_34, %swap3A_35] {strides = array<i32>} : memref<8x1024xf32, #tpu.memory_space<vmem>>, vector<16xf32>,
      tpu.vector_store %arg5[%swap3A_34, %swap3A_35], %gather3A_30 {strides = array<i32>} : memref<8x1024xf32, #tpu.memory_space<vmem>>, vector<16xf32>,
      %broadcast_in_dim3A_37 = arith.constant 2 : i32
      %broadcast_in_dim3A_38 = vector.broadcast %broadcast_in_dim3A_37 : i32 to vector<16xi32>
      %gather3A_39 = tpu.vector_load_idx %arg4[%shift_right_logical3A_19, %and3A_21, %broadcast_in_dim3A_38] : memref<32x32x8xf32, #tpu.memory_space<vmem>>[vector<16xi32>, vector<16xi32>, vector<16xi32>], vector<16xf32>,
      %mul3A_40 = arith.constant 16 : i32
      %mul3A_41 = arith.muli %scan3A_13, %mul3A_40 : i32
      %swap3A_42 = arith.constant 2 : i32
      %swap3A_43 = arith.index_cast %swap3A_42 : i32 to index
      %swap3A_44 = arith.index_cast %mul3A_41 : i32 to index
      %swap3A_45 = tpu.vector_load %arg5[%swap3A_43, %swap3A_44] {strides = array<i32>} : memref<8x1024xf32, #tpu.memory_space<vmem>>, vector<16xf32>,
      tpu.vector_store %arg5[%swap3A_43, %swap3A_44], %gather3A_39 {strides = array<i32>} : memref<8x1024xf32, #tpu.memory_space<vmem>>, vector<16xf32>,
      %broadcast_in_dim3A_46 = arith.constant 3 : i32
      %broadcast_in_dim3A_47 = vector.broadcast %broadcast_in_dim3A_46 : i32 to vector<16xi32>
      %gather3A_48 = tpu.vector_load_idx %arg4[%shift_right_logical3A_19, %and3A_21, %broadcast_in_dim3A_47] : memref<32x32x8xf32, #tpu.memory_space<vmem>>[vector<16xi32>, vector<16xi32>, vector<16xi32>], vector<16xf32>,
      %mul3A_49 = arith.constant 16 : i32
      %mul3A_50 = arith.muli %scan3A_13, %mul3A_49 : i32
      %swap3A_51 = arith.constant 3 : i32
      %swap3A_52 = arith.index_cast %swap3A_51 : i32 to index
      %swap3A_53 = arith.index_cast %mul3A_50 : i32 to index
      %swap3A_54 = tpu.vector_load %arg5[%swap3A_52, %swap3A_53] {strides = array<i32>} : memref<8x1024xf32, #tpu.memory_space<vmem>>, vector<16xf32>,
      tpu.vector_store %arg5[%swap3A_52, %swap3A_53], %gather3A_48 {strides = array<i32>} : memref<8x1024xf32, #tpu.memory_space<vmem>>, vector<16xf32>,
      %broadcast_in_dim3A_55 = arith.constant 4 : i32
      %broadcast_in_dim3A_56 = vector.broadcast %broadcast_in_dim3A_55 : i32 to vector<16xi32>
      %gather3A_57 = tpu.vector_load_idx %arg4[%shift_right_logical3A_19, %and3A_21, %broadcast_in_dim3A_56] : memref<32x32x8xf32, #tpu.memory_space<vmem>>[vector<16xi32>, vector<16xi32>, vector<16xi32>], vector<16xf32>,
      %mul3A_58 = arith.constant 16 : i32
      %mul3A_59 = arith.muli %scan3A_13, %mul3A_58 : i32
      %swap3A_60 = arith.constant 4 : i32
      %swap3A_61 = arith.index_cast %swap3A_60 : i32 to index
      %swap3A_62 = arith.index_cast %mul3A_59 : i32 to index
      %swap3A_63 = tpu.vector_load %arg5[%swap3A_61, %swap3A_62] {strides = array<i32>} : memref<8x1024xf32, #tpu.memory_space<vmem>>, vector<16xf32>,
      tpu.vector_store %arg5[%swap3A_61, %swap3A_62], %gather3A_57 {strides = array<i32>} : memref<8x1024xf32, #tpu.memory_space<vmem>>, vector<16xf32>,
      %broadcast_in_dim3A_64 = arith.constant 5 : i32
      %broadcast_in_dim3A_65 = vector.broadcast %broadcast_in_dim3A_64 : i32 to vector<16xi32>
      %gather3A_66 = tpu.vector_load_idx %arg4[%shift_right_logical3A_19, %and3A_21, %broadcast_in_dim3A_65] : memref<32x32x8xf32, #tpu.memory_space<vmem>>[vector<16xi32>, vector<16xi32>, vector<16xi32>], vector<16xf32>,
      %mul3A_67 = arith.constant 16 : i32
      %mul3A_68 = arith.muli %scan3A_13, %mul3A_67 : i32
      %swap3A_69 = arith.constant 5 : i32
      %swap3A_70 = arith.index_cast %swap3A_69 : i32 to index
      %swap3A_71 = arith.index_cast %mul3A_68 : i32 to index
      %swap3A_72 = tpu.vector_load %arg5[%swap3A_70, %swap3A_71] {strides = array<i32>} : memref<8x1024xf32, #tpu.memory_space<vmem>>, vector<16xf32>,
      tpu.vector_store %arg5[%swap3A_70, %swap3A_71], %gather3A_66 {strides = array<i32>} : memref<8x1024xf32, #tpu.memory_space<vmem>>, vector<16xf32>,
      %broadcast_in_dim3A_73 = arith.constant 6 : i32
      %broadcast_in_dim3A_74 = vector.broadcast %broadcast_in_dim3A_73 : i32 to vector<16xi32>
      %gather3A_75 = tpu.vector_load_idx %arg4[%shift_right_logical3A_19, %and3A_21, %broadcast_in_dim3A_74] : memref<32x32x8xf32, #tpu.memory_space<vmem>>[vector<16xi32>, vector<16xi32>, vector<16xi32>], vector<16xf32>,
      %mul3A_76 = arith.constant 16 : i32
      %mul3A_77 = arith.muli %scan3A_13, %mul3A_76 : i32
      %swap3A_78 = arith.constant 6 : i32
      %swap3A_79 = arith.index_cast %swap3A_78 : i32 to index
      %swap3A_80 = arith.index_cast %mul3A_77 : i32 to index
      %swap3A_81 = tpu.vector_load %arg5[%swap3A_79, %swap3A_80] {strides = array<i32>} : memref<8x1024xf32, #tpu.memory_space<vmem>>, vector<16xf32>,
      tpu.vector_store %arg5[%swap3A_79, %swap3A_80], %gather3A_75 {strides = array<i32>} : memref<8x1024xf32, #tpu.memory_space<vmem>>, vector<16xf32>,
      %broadcast_in_dim3A_82 = arith.constant 7 : i32
      %broadcast_in_dim3A_83 = vector.broadcast %broadcast_in_dim3A_82 : i32 to vector<16xi32>
      %gather3A_84 = tpu.vector_load_idx %arg4[%shift_right_logical3A_19, %and3A_21, %broadcast_in_dim3A_83] : memref<32x32x8xf32, #tpu.memory_space<vmem>>[vector<16xi32>, vector<16xi32>, vector<16xi32>], vector<16xf32>,
      %mul3A_85 = arith.constant 16 : i32
      %mul3A_86 = arith.muli %scan3A_13, %mul3A_85 : i32
      %swap3A_87 = arith.constant 7 : i32
      %swap3A_88 = arith.index_cast %swap3A_87 : i32 to index
      %swap3A_89 = arith.index_cast %mul3A_86 : i32 to index
      %swap3A_90 = tpu.vector_load %arg5[%swap3A_88, %swap3A_89] {strides = array<i32>} : memref<8x1024xf32, #tpu.memory_space<vmem>>, vector<16xf32>,
      tpu.vector_store %arg5[%swap3A_88, %swap3A_89], %gather3A_84 {strides = array<i32>} : memref<8x1024xf32, #tpu.memory_space<vmem>>, vector<16xf32>,
    }
    %scan3A_6 = arith.constant 64 : i32
    %dma_start3A = arith.constant 0 : i32
    %dma_start3A_7 = tpu.memref_slice %arg3[%mul3A_2, %dma_start3A] : memref<256x1024xf32, #tpu.memory_space<hbm>> -> memref<8x1024xf32, #tpu.memory_space<hbm>>
    %dma_start3A_8 = arith.constant 0 : i32
    %dma_start3A_9 = tpu.memref_slice %arg3[%mul3A_2, %dma_start3A_8] : memref<256x1024xf32, #tpu.memory_space<hbm>> -> memref<8x1024xf32, #tpu.memory_space<hbm>>
    tpu.enqueue_dma source(%arg5 : memref<8x1024xf32, #tpu.memory_space<vmem>>) target(%dma_start3A_9 : memref<8x1024xf32, #tpu.memory_space<hbm>>) target_semaphore(%arg6 : memref<!tpu.dma_semaphore, #tpu.memory_space<semaphore_mem>>)
    %dma_wait3A = arith.constant 0 : i32
    %dma_wait3A_10 = tpu.memref_slice %arg3[%mul3A_2, %dma_wait3A] : memref<256x1024xf32, #tpu.memory_space<hbm>> -> memref<8x1024xf32, #tpu.memory_space<hbm>>
    %dma_wait3A_11 = arith.constant 0 : i32
    %dma_wait3A_12 = tpu.memref_slice %arg3[%mul3A_2, %dma_wait3A_11] : memref<256x1024xf32, #tpu.memory_space<hbm>> -> memref<8x1024xf32, #tpu.memory_space<hbm>>
    tpu.wait_dma2 semaphore(%arg6 : memref<!tpu.dma_semaphore, #tpu.memory_space<semaphore_mem>>) src(%arg5 : memref<8x1024xf32, #tpu.memory_space<vmem>>) dst(%dma_wait3A_12 : memref<8x1024xf32, #tpu.memory_space<hbm>>)
    return
  }
}

module attributes {stable_mosaic.version = 14 : i64} {
  func.func @_tc_body(%arg0: i32, %arg1: memref<256x1024xf32, #tpu.memory_space<vmem>>, %arg2: memref<4x256x1024xf32, #tpu.memory_space<vmem>>) attributes {dimension_semantics = [#tpu.dimension_semantics<arbitrary>], iteration_bounds = array<i64: 4>, scalar_prefetch = 0 : i64, scratch_operands = 0 : i64, tpu.core_type = #tpu.core_type<tc>, window_params = [{pipeline_mode = #tpu.pipeline_mode<synchronous>, transform_indices = @transform_0, window_bounds = array<i64: 256, 1024>}, {transform_indices = @transform_1, window_bounds = array<i64: 4, 256, 1024>}]} {
    %get3A = arith.constant 0 : index
    %get3A_0 = arith.constant 0 : index
    %get3A_1 = vector.load %arg1[%get3A, %get3A_0] : memref<256x1024xf32, #tpu.memory_space<vmem>>, vector<256x1024xf32>
    %broadcast_in_dim3A = vector.shape_cast %get3A_1 : vector<256x1024xf32> to vector<1x256x1024xf32>
    %broadcast_in_dim3A_2 = vector.shape_cast %broadcast_in_dim3A : vector<1x256x1024xf32> to vector<1x256x1024xf32>
    %broadcast_in_dim3A_3 = vector.broadcast %broadcast_in_dim3A_2 : vector<1x256x1024xf32> to vector<4x256x1024xf32>
    %swap3A = arith.constant 0 : index
    %swap3A_4 = arith.constant 0 : index
    %swap3A_5 = arith.constant 0 : index
    %swap3A_6 = vector.load %arg2[%swap3A, %swap3A_4, %swap3A_5] : memref<4x256x1024xf32, #tpu.memory_space<vmem>>, vector<4x256x1024xf32>
    tpu.vector_store %arg2[%swap3A, %swap3A_4, %swap3A_5], %broadcast_in_dim3A_3 {strides = array<i32>} : memref<4x256x1024xf32, #tpu.memory_space<vmem>>, vector<4x256x1024xf32>,
    return
  }
  func.func @transform_0(%arg0: i32) -> (i32, i32) {
    %c0_i32 = arith.constant 0 : i32
    %c0_i32_0 = arith.constant 0 : i32
    %c0_i32_1 = arith.constant 0 : i32
    return %c0_i32, %c0_i32_0 : i32, i32
  }
  func.func @transform_1(%arg0: i32) -> (i32, i32, i32) {
    %c0_i32 = arith.constant 0 : i32
    %c0_i32_0 = arith.constant 0 : i32
    %c0_i32_1 = arith.constant 0 : i32
    return %arg0, %c0_i32, %c0_i32_0 : i32, i32, i32
  }
}

</mosaic_0001>

<sc_bundles>
// kernel: kernel.4.cloned.1.call-start
scs
__scs_entry_jumppad:
0x0: {  	(pc) =	sbr.rel $0x88, $3  }
0x1: {  	(tag) =	ssettag $0x0;
	lr =	simm.s32 $0x1  }
0x2: {  	[smem:$0x3FA0] =	sst lr;
	_ =	strace $0xD0000000  }
0x3: {  	_ = 	snop  }
0x4: {  	_ = 	snop  }
0x5: {  	_ = 	snop  }
0x6: {  	_ = 	snop  }
0x7: {  	_ = 	snop  }
__scs_overlays_trampoline_lowered:
0x8: {  	[smem:$0x3FAF] =	sst s0  }
0x9: {  	[smem:$0x3FB0] =	sst s1  }
0xa: {  	[smem:$0x3FB1] =	sst s2  }
0xb: {  	[smem:$0x3FB2] =	sst s3  }
0xc: {  	[smem:$0x3FB3] =	sst s4  }
0xd: {  	[smem:$0x3FB4] =	sst s5  }
0xe: {  	[smem:$0x3FB5] =	sst s6  }
0xf: {  	[smem:$0x3FB6] =	sst s7  }
0x10: {  	[smem:$0x3FB7] =	sst s8  }
0x11: {  	[smem:$0x3FB8] =	sst s9;
	s0 =	simm.s32 @!p0 $0x0  }
0x12: {  	s1 =	sld [smem:$0x3F9E];
	s0 =	simm.s32 @p0 $0x1  }
0x13: {  	[smem:$0x3FB9] =	sst s0;
	s0 =	simm.s32 @!p1 $0x0  }
0x14: {  	s2 =	sld [smem:$0x3F9D];
	s0 =	simm.s32 @p1 $0x1  }
0x15: {  	[smem:$0x3FBA] =	sst s0;
	s0 =	simm.s32 @!p2 $0x0  }
0x16: {  	s3 =	sld [smem:$0x3FDB];
	s0 =	simm.s32 @p2 $0x1  }
0x17: {  	s4 =	simm.s32 $0x1BF5;
	[smem:$0x3FBC] =	sst s0  }
0x18: {  	s0 =	sld [smem:$0x3F9F];
	_ =	swait.ge [sflag:s4], $0x0  }
0x19: {  	s7 =	sld [smem:$0x3FA0]  }
0x1a: {  	s8 =	sadd.s32 $0xFFFFE003, lr  }
0x1b: {  	s9 =	sadd.s32 $0xFFFFFEF7, lr;
	s5 =	simm.s32 $0xFFFFFFFF;
	p2 =	slt.u32 s8, $0xFFFFF086  }
0x1c: {  	p1 =	slt.u32 s9, $0xF7A;
	s5 =	simm.s32 @!p2 $0x0  }
0x1d: {  	s5 =	simm.s32 @p1 $0x1;
	p0 =	seq.s32 s7, s2  }
0x1e: {  	s7 =	smul.u32 @!p0 $0xF7A, s2;
	p2 =	seq.s32 @!p0 s5, $0x0  }
0x1f: {  	s9 =	smul.u32 $0xF7A, s1;
	s8 =	simm.s32 @!p0 $0x1BF5;
	p2 =	por !p2, p0  }
0x20: {  	[sflag:s8] =	ssyncset.s32 @!p0 $0xFFFFF086;
	s6 =	sadd.s32 @!p0 s3, s7;
	s7 =	simm.s32 @!p0 $0x108  }
0x21: {  	s3 =	sadd.s32 s3, s9;
	s6 =	sadd.s32 @!p0 $0x88, s6;
	s7 =	simm.s32 @p2 $0x1082  }
0x22: {  	[simem:s7], [sflag:s8] =	dma.local @!p0 [hbm:s6], $0xF7A  }
0x23: {  	s9 =	sor.u32 $0xD0000000, s2;
	s6 =	simm.s32 $0x108;
	_ =	swait.ge @!p0 [sflag:s8], $0x0  }
0x24: {  	s3 =	sadd.s32 $0x88, s3;
	s6 =	simm.s32 @!p1 $0x1082;
	[sflag:s4] =	ssyncset.s32 $0xFFFFF086  }
0x25: {  	[simem:s6], [sflag:s4] =	dma.local [hbm:s3], $0xF7A  }
0x26: {  	[smem:$0x3FA0] =	sst s1;
	(tag) =	ssettag s2;
	_ =	strace s9  }
0x27: {  	s1 =	sld [smem:$0x3FB0]  }
0x28: {  	s2 =	sld [smem:$0x3FB1]  }
0x29: {  	s4 =	sld [smem:$0x3FB3]  }
0x2a: {  	p0 =	seq.s32 s5, $0x0;
	s5 =	sld [smem:$0x3FB4]  }
0x2b: {  	s6 =	sld [smem:$0x3FB5]  }
0x2c: {  	s7 =	sld [smem:$0x3FB6]  }
0x2d: {  	s3 =	simm.s32 $0x108;
	s8 =	sld [smem:$0x3FB7]  }
0x2e: {  	s3 =	simm.s32 @!p0 $0x1082;
	s9 =	sld [smem:$0x3FB8]  }
0x2f: {  	lr =	sadd.s32 s0, s3;
	s0 =	sld [smem:$0x3FAF]  }
0x30: {  	s3 =	sld [smem:$0x3FB2]  }
0x31: {  	[smem:$0x3FBB] =	sst s10  }
0x32: {  	s10 =	sld [smem:$0x3FB9];
	_ =	sdelay $0x3  }
0x33: {  	p0 =	seq.s32 s10, $0x1;
	s10 =	sld [smem:$0x3FBB];
	_ =	sdelay $0x3  }
0x34: {  	[smem:$0x3FBB] =	sst s10  }
0x35: {  	s10 =	sld [smem:$0x3FBA];
	_ =	sdelay $0x3  }
0x36: {  	p1 =	seq.s32 s10, $0x1;
	s10 =	sld [smem:$0x3FBB];
	_ =	sdelay $0x3  }
0x37: {  	[smem:$0x3FBB] =	sst s10  }
0x38: {  	s10 =	sld [smem:$0x3FBC]  }
0x39: {  	_ = 	snop;
	(pc) =	sbr.ind lr, $3  }
0x3a: {  	_ = 	snop  }
0x3b: {  	_ = 	snop  }
0x3c: {  	p2 =	seq.s32 s10, $0x1;
	s10 =	sld [smem:$0x3FBB]  }
0x3d: {  	_ =	shalt  }
0x3e: {  	_ =	shalt  }
0x3f: {  	_ =	shalt  }
0x40: {  	_ =	shalt  }
0x41: {  	_ =	shalt  }
0x42: {  	_ =	shalt  }
0x43: {  	_ =	shalt  }
0x44: {  	_ =	shalt  }
0x45: {  	_ =	shalt  }
0x46: {  	_ =	shalt  }
0x47: {  	_ =	shalt  }
0x48: {  	_ =	shalt  }
0x49: {  	_ =	shalt  }
0x4a: {  	_ =	shalt  }
0x4b: {  	_ =	shalt  }
0x4c: {  	_ =	shalt  }
0x4d: {  	_ =	shalt  }
0x4e: {  	_ =	shalt  }
0x4f: {  	_ =	shalt  }
0x50: {  	_ =	shalt  }
0x51: {  	_ =	shalt  }
0x52: {  	_ =	shalt  }
0x53: {  	_ =	shalt  }
0x54: {  	_ =	shalt  }
0x55: {  	_ =	shalt  }
0x56: {  	_ =	shalt  }
0x57: {  	_ =	shalt  }
0x58: {  	_ =	shalt  }
0x59: {  	_ =	shalt  }
0x5a: {  	_ =	shalt  }
0x5b: {  	_ =	shalt  }
0x5c: {  	_ =	shalt  }
0x5d: {  	_ =	shalt  }
0x5e: {  	_ =	shalt  }
0x5f: {  	_ =	shalt  }
0x60: {  	_ =	shalt  }
0x61: {  	_ =	shalt  }
0x62: {  	_ =	shalt  }
0x63: {  	_ =	shalt  }
0x64: {  	_ =	shalt  }
0x65: {  	_ =	shalt  }
0x66: {  	_ =	shalt  }
0x67: {  	_ =	shalt  }
0x68: {  	_ =	shalt  }
0x69: {  	_ =	shalt  }
0x6a: {  	_ =	shalt  }
0x6b: {  	_ =	shalt  }
0x6c: {  	_ =	shalt  }
0x6d: {  	_ =	shalt  }
0x6e: {  	_ =	shalt  }
0x6f: {  	_ =	shalt  }
0x70: {  	_ =	shalt  }
0x71: {  	_ =	shalt  }
0x72: {  	_ =	shalt  }
0x73: {  	_ =	shalt  }
0x74: {  	_ =	shalt  }
0x75: {  	_ =	shalt  }
0x76: {  	_ =	shalt  }
0x77: {  	_ =	shalt  }
0x78: {  	_ =	shalt  }
0x79: {  	_ =	shalt  }
0x7a: {  	_ =	shalt  }
0x7b: {  	_ =	shalt  }
0x7c: {  	_ =	shalt  }
0x7d: {  	_ =	shalt  }
0x7e: {  	_ =	shalt  }
0x7f: {  	_ =	shalt  }
0x80: {  	_ =	shalt  }
0x81: {  	_ =	shalt  }
0x82: {  	_ =	shalt  }
0x83: {  	_ =	shalt  }
0x84: {  	_ =	shalt  }
0x85: {  	_ =	shalt  }
0x86: {  	_ =	shalt  }
0x87: {  	_ =	shalt  }
.Lfunc_end0:
.L_simem_size_0:
called_computation_lowered:
.L_overlay_start_0:
0x88: {  	s2 =	sld [smem:$0x3FD9]  }
0x89: {  	s3 =	sld [smem:$0x3FFE];
	_ =	sdelay $0x1  }
0x8a: {  	s1 =	srdreg.scid  }
0x8b: {  	s0 =	sand.u32 $0x1, s1  }
0x8c: {  	s17 =	sshll.u32 s0, $0xA;
	s2 =	sadd.s32 s3, s2  }
0x8d: {  	s2 =	sadd.s32 s2, s17  }
0x8e: {  	[smem:$0x3FC7] =	sst s2  }
0x8f: {  	_ = 	snop  }
0x90: {  	s2 =	sld [smem:$0x3FD0];
	(tm) =	ssettm $0x1  }
0x91: {  	s18 =	sld [smem:$0x3FFB];
	_ =	sdelay $0x3  }
0x92: {  	_ =	strace s18  }
0x93: {  	s3 =	sld [smem:$0x3FFC];
	_ =	sdelay $0x3  }
0x94: {  	_ =	strace s3  }
0x95: {  	s3 =	sld [smem:$0x3FFD];
	_ =	sdelay $0x3  }
0x96: {  	_ =	strace s3  }
0x97: {  	_ =	strace $0x8FFFFFFF  }
0x98: {  	s19 =	sld [smem:$0x3FDB];
	_ =	sdelay $0x1  }
0x99: {  	s4 =	simm.s32 $_scs_section_size  }
0x9a: {  	s5 =	simm.s32 $_size__tile_overlayer_lowered;
	s6 =	simm.s32 $_tile_overlayer_lowered  }
0x9b: {  	s22 =	simm.s32 $0x1BFF;
	s21 =	sshll.u32 s6, $0x1;
	s3 =	sadd.s32 s4, s19  }
0x9c: {  	s7 =	simm.s32 $0x0;
	s20 =	sshll.u32 s5, $0x1;
	s5 =	sadd.s32 s21, s3  }
0x9d: {  	[timem:s7], [sflag:s22] =	dma.local [hbm:s5], s20  }
0x9e: {  	_ =	swait.ge [sflag:s22], s20  }
0x9f: {  	s4 =	ssub.s32 $0x0, s20;
	[sflag:s22] =	ssyncset.done $0x0  }
0xa0: {  	[sflag:s22] =	ssyncadd.s32 s4;
	_ =	sdelay $0x1  }
0xa1: {  	s23 =	simm.s32 $0x1B8B  }
0xa2: {  	_ =	swait.ge [sflag:s23], $0x1  }
0xa3: {  	[sflag:s23] =	ssyncset.done $0x0  }
0xa4: {  	s25 =	simm.s32 $0x1B8E;
	s24 =	sld [smem:$0x3FFE];
	[sflag:s23] =	ssyncadd.s32 $0xFFFFFFFF  }
0xa5: {  	s26 =	simm.s32 $execute0_lowered;
	[smem:$0x3FD2] =	sst s25  }
0xa6: {  	s5 =	sshll.u32 s26, $0x1;
	_ =	strace $0x80000046;
	[dreg:$0x1] =	wrdreg $0xFFFFFFFF  }
0xa7: {  	s28 =	simm.s32 $_size_execute0_lowered;
	s3 =	sadd.s32 s3, s5;
	[dreg:$0x0] =	wrdreg $0x0  }
0xa8: {  	s5 =	sshll.u32 s28, $0x1;
	[dreg:$0x2] =	wrdreg s3  }
0xa9: {  	[dreg:$0x3] =	wrdreg s5  }
0xaa: {  	[dreg:$0x4] =	wrdreg $0xC0  }
0xab: {  	_ =	task [dreg:s7], $0x5FFFF  }
0xac: {  	[dreg:$0x1] =	wrdreg $0xFFFFFFFF  }
0xad: {  	[dreg:$0x0] =	wrdreg $0x60  }
0xae: {  	[dreg:$0x2] =	wrdreg s2  }
0xaf: {  	[dreg:$0x3] =	wrdreg s24  }
0xb0: {  	[dreg:$0x4] =	wrdreg $0x9  }
0xb1: {  	_ =	task.clear_ibuf [dreg:s7], $0x5FFFF;
	_ =	strace $0x90000046  }
0xb2: {  	s29 =	simm.s32 $0x9;
	_ =	strace $0x80000048  }
0xb3: {  	_ =	swait.ge [sflag:s29], $0x1  }
0xb4: {  	[sflag:s29] =	ssyncadd.s32 $0xFFFFFFFF  }
0xb5: {  	_ =	strace $0x90000048  }
0xb6: {  	_ =	sfence  }
0xb7: {  	s30 =	sld [smem:$0x0];
	_ =	sdelay $0x2  }
0xb8: {  	s31 =	sshll.u32 s1, $0xD;
	s1 =	sshrl.u32 s1, $0x2  }
0xb9: {  	s3 =	sand.u32 $0x4000, s31;
	s1 =	sadd.s32 s1, s30  }
0xba: {  	s0 =	sor.u32 s3, s0;
	s1 =	sshll.u32 s1, $0x11  }
0xbb: {  	s0 =	sor.u32 s1, s0  }
0xbc: {  	s0 =	sadd.s32 $0x8F2B, s0  }
0xbd: {  	[sflag:s0] =	ssyncadd.remote.s32 $0x1  }
0xbe: {  	_ =	sfence.sel $0xFFFF  }
0xbf: {  	[dreg:$0x0] =	wrdreg $0xFFFFFFFF;
	(pc) =	sbr.abs _section_cstart, $3  }
0xc0: {  	[dreg:$0x1] =	wrdreg $0xFFFFFFFF  }
0xc1: {  	_ =	task.clear_ibuf [dreg:s7], $0x2FFFF;
	_ =	strace $0x9FFFFFFF  }
0xc2: {  	(tm) =	ssettm $0x7FFFFFFF  }
0xc3: {  	_ =	shalt  }
tec
execute0_lowered:
.L_overlay_start_1:
0x0: {  	(tag) =	ssettag $0x1  }
0x1: {  	s3 =	rddreg [dreg:$0x0]  }
0x2: {  	s4 =	rddreg [dreg:$0x1];
	s2 =	srdreg.scid  }
0x3: {  	s0 =	rddreg [dreg:$0x2];
	s1 =	stileid.u32;
	s9 =	simm.s32 $0x2000  }
0x4: {  	s10 =	simm.s32 $0x1;
	s11 =	simm.s32 $0x0;
	s5 =	sand.u32 $0x1, s2  }
0x5: {  	s2 =	simm.s32 $0x0;
	s6 =	sshll.u32 s1, $0x4;
	s7 =	sshll.u32 s5, $0x3  }
0x6: {  	[smem:$0x7FF] =	sst s2;
	s5 =	ssub.s32 $0x2, s5;
	s6 =	sor.u32 s7, s6  }
0x7: {  	_ =	strace $0x80000047;
	s8 =	sshrl.u32 s5, $0x1;
	s7 =	sshll.u32 s6, $0x7  }
0x8: {  	s5 =	ssub.s32 s5, s8;
	s6 =	sshrl.u32 s6, $0x3;
	s8 =	simm.s32 $0x2  }
0x9: {  	v0 =	vlaneseq.u32;
	s4 =	sadd.s32 s7, s4;
	s3 =	sadd.s32 s3, s6;
	s5 =	smax.u32 s5, $0x1  }
0xa: {  	v0 =	vmul.u32 $0x8, v0;
	s6 =	simm.s32 $0x8;
	s7 =	simm.s32 $0x100;
	s4 =	sadd.s32 $0x400, s4  }
.LBB2_1:
0xb: {  	s13 =	simm.s32 $0x400  }
0xc: {  	s15 =	simm.s32 $0x0;
	s14 =	sadd.s32 $0x640, s3;
	s12 =	smov.u32 s3  }
.LBB2_2:
0xd: {  	[tilespmem:s15], [sflag:$0x2] =	stream.strided.gather [hbm4b:s12+s6], $0x100, s7, s6, $0x38;
	[tilespmem:$0x4000] =	vst v63  }
0xe: {  	s15 =	smov.u32 s13;
	s12 =	smov.u32 s14;
	p0 =	sne.s32 s13, $0x7C00  }
.Ltmp0:
0xf: {  	s13 =	sadd.s32 $0x400, s13;
	(pc) =	sbr.rel @p0 .LBB2_2-.Ltmp0, $2  }
0x10: {  	_ =	sdelay $0x2  }
0x11: {  	s14 =	sadd.s32 $0x640, s14;
	s15 =	sshra.s32 s15, $0x2  }
0x12: {  	s13 =	simm.s32 $0x0  }
0x13: {  	v1 =	vmov s13  }
0x14: {  	v1 =	vshll.u32 v1, $0x3  }
0x15: {  	v2 =	vor.u32 v0, v1  }
0x16: {  	v1 =	vand.u32 $0x1F00, v1;
	v2 =	vand.u32 $0xF8, v2  }
0x17: {  	v1 =	vor.u32 v1, v2  }
0x18: {  	[tilespmem:s15], [sflag:$0x2] =	stream.strided.gather [hbm4b:s12+s6], $0x100, s7, s6, $0x38;
	[tilespmem:$0x4000] =	vst v63  }
0x19: {  	_ =	swait.ge [sflag:s8], $0x2000  }
0x1a: {  	[sflag:s8] =	ssyncset.done $0x0  }
0x1b: {  	[sflag:s8] =	ssyncadd.s32 $0xFFFFE000  }
0x1c: {  	v2 =	vld.idx.msk [tilespmem:v1+s2+$0x0], $0xffff  }
0x1d: {  	v3 =	vor.u32 $0x1, v1;
	_ =	sdelay $0x2  }
0x1e: {  	s12 =	simm.s32 $0x3000  }
0x1f: {  	[tilespmem:s12+$0xFFFFF000] =	vst v2  }
0x20: {  	v2 =	vld.idx.msk [tilespmem:v3+s2+$0x0], $0xffff  }
0x21: {  	v3 =	vor.u32 $0x2, v1;
	_ =	sdelay $0x3  }
0x22: {  	[tilespmem:s12+$0xFFFFF400] =	vst v2  }
0x23: {  	v2 =	vld.idx.msk [tilespmem:v3+s2+$0x0], $0xffff  }
0x24: {  	v3 =	vor.u32 $0x3, v1;
	_ =	sdelay $0x3  }
0x25: {  	[tilespmem:s12+$0xFFFFF800] =	vst v2  }
0x26: {  	v2 =	vld.idx.msk [tilespmem:v3+s2+$0x0], $0xffff  }
0x27: {  	v3 =	vor.u32 $0x4, v1;
	_ =	sdelay $0x3  }
0x28: {  	[tilespmem:s12+$0xFFFFFC00] =	vst v2  }
0x29: {  	v2 =	vld.idx.msk [tilespmem:v3+s2+$0x0], $0xffff  }
0x2a: {  	v3 =	vor.u32 $0x5, v1;
	_ =	sdelay $0x3  }
0x2b: {  	[tilespmem:s12+$0x0] =	vst v2  }
0x2c: {  	v2 =	vld.idx.msk [tilespmem:v3+s2+$0x0], $0xffff  }
0x2d: {  	v3 =	vor.u32 $0x6, v1;
	_ =	sdelay $0x3  }
0x2e: {  	[tilespmem:s12+$0x400] =	vst v2  }
0x2f: {  	v2 =	vld.idx.msk [tilespmem:v3+s2+$0x0], $0xffff  }
0x30: {  	v1 =	vor.u32 $0x7, v1;
	_ =	sdelay $0x1  }
0x31: {  	s31 =	simm.s32 $0x10  }
0x32: {  	s13 =	simm.s32 $0x20;
	v3 =	vmov s31  }
.LBB2_4:
0x33: {  	p0 =	sne.s32 s13, $0x3F0;
	v3 =	vshll.u32 v3, $0x3;
	[tilespmem:s12+$0x800] =	vst v2  }
0x34: {  	v2 =	vor.u32 v0, v3;
	v1 =	vld.idx.msk [tilespmem:v1+s2+$0x0], $0xffff  }
0x35: {  	v3 =	vand.u32 $0x1F00, v3;
	v2 =	vand.u32 $0xF8, v2  }
0x36: {  	v3 =	vor.u32 v3, v2;
	_ =	sdelay $0x3  }
0x37: {  	[tilespmem:s12+$0xC00] =	vst v1  }
0x38: {  	v1 =	vld.idx.msk [tilespmem:v3+s2+$0x0], $0xffff;
	_ =	sdelay $0x1  }
0x39: {  	v2 =	vor.u32 $0x1, v3;
	_ =	sdelay $0x2  }
0x3a: {  	s12 =	sadd.s32 $0x10, s12  }
0x3b: {  	[tilespmem:s12+$0xFFFFF000] =	vst v1  }
0x3c: {  	v1 =	vld.idx.msk [tilespmem:v2+s2+$0x0], $0xffff;
	_ =	sdelay $0x1  }
0x3d: {  	v2 =	vor.u32 $0x2, v3;
	_ =	sdelay $0x3  }
0x3e: {  	[tilespmem:s12+$0xFFFFF400] =	vst v1  }
0x3f: {  	v1 =	vld.idx.msk [tilespmem:v2+s2+$0x0], $0xffff;
	_ =	sdelay $0x1  }
0x40: {  	v2 =	vor.u32 $0x3, v3;
	_ =	sdelay $0x3  }
0x41: {  	[tilespmem:s12+$0xFFFFF800] =	vst v1  }
0x42: {  	v1 =	vld.idx.msk [tilespmem:v2+s2+$0x0], $0xffff;
	_ =	sdelay $0x1  }
0x43: {  	v2 =	vor.u32 $0x4, v3;
	_ =	sdelay $0x3  }
0x44: {  	[tilespmem:s12+$0xFFFFFC00] =	vst v1  }
0x45: {  	v1 =	vld.idx.msk [tilespmem:v2+s2+$0x0], $0xffff;
	_ =	sdelay $0x1  }
0x46: {  	v2 =	vor.u32 $0x5, v3;
	_ =	sdelay $0x3  }
0x47: {  	[tilespmem:s12+$0x0] =	vst v1  }
0x48: {  	v1 =	vld.idx.msk [tilespmem:v2+s2+$0x0], $0xffff;
	_ =	sdelay $0x1  }
0x49: {  	v2 =	vor.u32 $0x6, v3;
	_ =	sdelay $0x3  }
0x4a: {  	[tilespmem:s12+$0x400] =	vst v1  }
0x4b: {  	v2 =	vld.idx.msk [tilespmem:v2+s2+$0x0], $0xffff  }
.Ltmp1:
0x4c: {  	(pc) =	sbr.rel @p0 .LBB2_4-.Ltmp1, $2  }
0x4d: {  	v1 =	vor.u32 $0x7, v3;
	_ =	sdelay $0x2  }
0x4e: {  	v3 =	vmov s13;
	s13 =	sadd.s32 $0x10, s13  }
0x4f: {  	_ =	sdelay $0x1  }
0x50: {  	v3 =	vshll.u32 v3, $0x3  }
0x51: {  	[tilespmem:s12+$0x800] =	vst v2;
	v2 =	vor.u32 v0, v3  }
0x52: {  	v1 =	vld.idx.msk [tilespmem:v1+s2+$0x0], $0xffff;
	v3 =	vand.u32 $0x1F00, v3;
	v2 =	vand.u32 $0xF8, v2  }
0x53: {  	v2 =	vor.u32 v3, v2;
	_ =	sdelay $0x3  }
0x54: {  	[tilespmem:s12+$0xC00] =	vst v1  }
0x55: {  	v1 =	vld.idx.msk [tilespmem:v2+s2+$0x0], $0xffff  }
0x56: {  	v3 =	vor.u32 $0x1, v2;
	_ =	sdelay $0x2  }
0x57: {  	s31 =	sadd.s32 $0x10, s12  }
0x58: {  	[tilespmem:s31+$0xFFFFF000] =	vst v1  }
0x59: {  	v1 =	vld.idx.msk [tilespmem:v3+s2+$0x0], $0xffff  }
0x5a: {  	v3 =	vor.u32 $0x2, v2;
	_ =	sdelay $0x3  }
0x5b: {  	[tilespmem:s31+$0xFFFFF400] =	vst v1  }
0x5c: {  	v1 =	vld.idx.msk [tilespmem:v3+s2+$0x0], $0xffff  }
0x5d: {  	v3 =	vor.u32 $0x3, v2;
	_ =	sdelay $0x3  }
0x5e: {  	[tilespmem:s31+$0xFFFFF800] =	vst v1  }
0x5f: {  	v1 =	vld.idx.msk [tilespmem:v3+s2+$0x0], $0xffff  }
0x60: {  	v3 =	vor.u32 $0x4, v2;
	_ =	sdelay $0x3  }
0x61: {  	[tilespmem:s31+$0xFFFFFC00] =	vst v1  }
0x62: {  	v1 =	vld.idx.msk [tilespmem:v3+s2+$0x0], $0xffff  }
0x63: {  	v3 =	vor.u32 $0x5, v2;
	_ =	sdelay $0x3  }
0x64: {  	[tilespmem:s31+$0x0] =	vst v1  }
0x65: {  	v1 =	vld.idx.msk [tilespmem:v3+s2+$0x0], $0xffff  }
0x66: {  	v3 =	vor.u32 $0x6, v2;
	_ =	sdelay $0x3  }
0x67: {  	[tilespmem:s31+$0x400] =	vst v1  }
0x68: {  	v1 =	vld.idx.msk [tilespmem:v3+s2+$0x0], $0xffff  }
0x69: {  	v2 =	vor.u32 $0x7, v2;
	_ =	sdelay $0x3  }
0x6a: {  	[tilespmem:s31+$0x800] =	vst v1  }
0x6b: {  	v1 =	vld.idx.msk [tilespmem:v2+s2+$0x0], $0xffff;
	_ =	sdelay $0x2  }
0x6c: {  	s11 =	sadd.s32 $0x1, s11  }
0x6d: {  	p0 =	sne.s32 s11, s5  }
.Ltmp2:
0x6e: {  	[tilespmem:s31+$0xC00] =	vst v1;
	(pc) =	sbr.rel @p0 .LBB2_1-.Ltmp2, $4  }
0x6f: {  	[hbm4b:s4+s2] =	stream.linear.scatter [tilespmem:s9], [sflag:$0x1], $0x2000, $0x38;
	[tilespmem:$0x4000] =	vst v63  }
0x70: {  	_ =	swait.ge [sflag:s10], $0x2000  }
0x71: {  	[sflag:s10] =	ssyncset.done $0x0  }
0x72: {  	[sflag:s10] =	ssyncadd.s32 $0xFFFFE000  }
0x73: {  	_ =	sfence.sel $0x180000  }
0x74: {  	[bflag:$0x0] =	sbarrier.arrive $0xFFFF  }
0x75: {  	p0 =	sne.s32 s1, $0x0;
	_ =	strace $0x90000047  }
0x76: {  	s0 =	sadd.s32 @!p0 $0x100000, s0;
	[bflag:$0x2] =	sbarrier.arrive $0xFFFF  }
0x77: {  	[sflag:s0] =	ssyncadd.tile.s32 @!p0 $0x1;
	_ =	shalt  }
.Lfunc_end2:
_tile_overlayer_lowered:
.L_overlay_start_2:
0x78: {  	(tag) =	ssettag $0x2  }
0x79: {  	s0 =	rddreg [dreg:$0x0];
	s2 =	stileid.u32  }
0x7a: {  	s1 =	rddreg [dreg:$0x1];
	p0 =	sne.s32 s2, $0x0  }
0x7b: {  	s3 =	rddreg [dreg:$0x2];
	[bflag:$0x3] =	sbarrier.arrive $0xFFFF;
	s2 =	simm.s32 @!p0 $0x1C02  }
0x7c: {  	[timem:s3], [sflag:s2] =	dma.local @!p0 [hbm:s0], s1  }
0x7d: {  	s0 =	simm.s32 @!p0 $0x2  }
0x7e: {  	_ =	swait.ge @!p0 [sflag:s0], s1  }
0x7f: {  	s1 =	ssub.s32 @!p0 $0x0, s1;
	[sflag:s0] =	ssyncset.done @!p0 $0x0  }
0x80: {  	[sflag:s0] =	ssyncadd.s32 @!p0 s1  }
0x81: {  	[bflag:$0x3] =	sbarrier.arrive $0xFFFF  }
0x82: {  	_ =	shalt  }

</sc_bundles>
